<compile_context>
chip_gen: v7x
topology: tpu7x:2x2x1
jax: 0.10.2.dev20260603
libtpu: 0.0.44.dev20260713+nightly
codegen_flags: <defaults>
</compile_context>

<pallas_src>
import functools
import math

import jax
import jax.numpy as jnp
from jax import lax
from jax.experimental import pallas as pl
from jax.experimental.pallas import tpu as pltpu
from jax.experimental.pallas import tpu_sc as plsc

_B, _S, _V = 64, 4, 100000
_R = _B * _S
_IGNORE = 0
_CONF = 0.9
_CLOGC = _CONF * math.log(_CONF)

_CHUNK = 8192
_NCHUNKS = (_V + _CHUNK - 1) // _CHUNK


_C2 = _CHUNK // 2


def _dense_body(tgt_ref, x_ref, h_ref, pdot_ref, ent_ref):
    j = pl.program_id(0)

    @pl.when(j == 0)
    def _init():
        pdot_ref[...] = jnp.zeros_like(pdot_ref)
        ent_ref[...] = jnp.zeros_like(ent_ref)

    x = x_ref[...]
    xc = jnp.concatenate([x[:, :, :_C2], x[:, :, _C2:]], axis=1)
    h = h_ref[...]
    ha = jnp.broadcast_to(h[:, :_C2].reshape(1, 1, _C2), (1, _S, _C2))
    hb = jnp.broadcast_to(h[:, _C2:].reshape(1, 1, _C2), (1, _S, _C2))
    hc = jnp.concatenate([ha, hb], axis=1)
    half = lax.broadcasted_iota(jnp.int32, (1, 2 * _S, 1), 1) >= _S
    col = (j * _CHUNK
           + lax.broadcasted_iota(jnp.int32, (1, 1, _C2), 2)
           + jnp.where(half, _C2, 0))
    valid = col < _V
    hm = jnp.where(valid, hc, 0.0)
    t = tgt_ref[...]
    tc = jnp.concatenate([t, t], axis=1)[:, :, None]
    w = jnp.where(col == tc, _CONF, hm)
    pdot_ref[...] += jnp.sum(xc * w, axis=2, keepdims=True)
    pos = hm > 0.0
    hl = jnp.where(pos, hm * jnp.log(jnp.where(pos, hm, 1.0)), 0.0)
    ent_ref[...] += jnp.sum(hl) * (1.0 / _S)


def _dense_pass(target, x3d, h2d):
    return pl.pallas_call(
        _dense_body,
        grid=(_NCHUNKS,),
        in_specs=[
            pl.BlockSpec((_B, _S), lambda j: (0, 0)),
            pl.BlockSpec((_B, _S, _CHUNK), lambda j: (0, 0, j)),
            pl.BlockSpec((1, _CHUNK), lambda j: (0, j)),
        ],
        out_specs=[
            pl.BlockSpec((_B, 2 * _S, 1), lambda j: (0, 0, 0)),
            pl.BlockSpec((1, 1), lambda j: (0, 0)),
        ],
        out_shape=[
            jax.ShapeDtypeStruct((_B, 2 * _S, 1), jnp.float32),
            jax.ShapeDtypeStruct((1, 1), jnp.float32),
        ],
    )(target, x3d, h2d)


_LANES = 16


def _sc_gather(tgt_hbm, h_hbm, ht_out, tgt_v, ht_v, sem_h):
    wid = lax.axis_index("s")
    base = wid * _LANES
    pltpu.sync_copy(tgt_hbm.at[pl.ds(base, _LANES)], tgt_v)
    pltpu.async_copy(h_hbm.at[tgt_v], ht_v, sem_h).wait()
    pltpu.sync_copy(ht_v, ht_out.at[pl.ds(base, _LANES)])


_sc_gather_call = functools.partial(
    pl.kernel,
    mesh=plsc.VectorSubcoreMesh(core_axis_name="c", subcore_axis_name="s",
                                num_cores=1),
    out_type=jax.ShapeDtypeStruct((_R,), jnp.float32),
    scratch_types=[
        pltpu.VMEM((_LANES,), jnp.int32),
        pltpu.VMEM((_LANES,), jnp.float32),
        pltpu.SemaphoreType.DMA,
    ],
)(_sc_gather)


def kernel(output, target, one_hot):
    ht = _sc_gather_call(target.reshape(-1), one_hot.reshape(-1))
    pdot8, ent = _dense_pass(target, output, one_hot)
    pdot = pdot8[:, :_S, 0] + pdot8[:, _S:, 0]
    ht2 = ht.reshape(_B, _S)
    entropy = ent[0, 0]
    pos = ht2 > 0.0
    xlh = jnp.where(pos, ht2 * jnp.log(jnp.where(pos, ht2, 1.0)), 0.0)
    per_row = entropy + _CLOGC - xlh - pdot
    return jnp.sum(jnp.where(target != _IGNORE, per_row, 0.0))

# --- scband reference (transcript-rebuilt; emitter-appended) ---
"""Pipeline reference for scband-label-smoothing-loss-36893769073271 (READ-ONLY COPY).

The authoritative reference and input builder live on the scoring server;
editing this copy changes nothing except your own understanding.
"""

import jax, jax.numpy as jnp
import numpy as np

B, S, V = 64, 4, 100000
LABEL_SMOOTHING = 0.1
IGNORE_INDEX = 0
CONFIDENCE = 1.0 - LABEL_SMOOTHING
SMOOTHING_VALUE = LABEL_SMOOTHING / (V - 2)


def setup_inputs(seed: int = 0) -> dict:
    key = jax.random.key(seed)
    k1, k2 = jax.random.split(key)
    # output is treated as log-probabilities by F.kl_div
    output = jax.random.normal(k1, (B, S, V), dtype=jnp.float32)
    target = jax.random.randint(k2, (B, S), 0, V, dtype=jnp.int32)
    # buffer registered in __init__ (ignore_index != -100 branch)
    one_hot = jnp.full((1, V), SMOOTHING_VALUE, dtype=jnp.float32)
    one_hot = one_hot.at[0, IGNORE_INDEX].set(0.0)
    return {"output": output, "target": target, "one_hot": one_hot}


def reference(output, target, one_hot):
    # model_prob = one_hot.repeat(B, S, 1)
    model_prob = jnp.broadcast_to(one_hot, (B, S, V))
    # model_prob.scatter_(2, target.unsqueeze(2), confidence)
    bi = jnp.arange(B)[:, None]
    si = jnp.arange(S)[None, :]
    model_prob = model_prob.at[bi, si, target].set(CONFIDENCE)
    # model_prob.masked_fill_((target == ignore_index).unsqueeze(2), 0)
    model_prob = jnp.where((target == IGNORE_INDEX)[:, :, None], 0.0, model_prob)
    # F.kl_div(output, model_prob, reduction='sum')
    # = sum( target * (log(target) - input) ), with 0*log(0) = 0 (xlogy semantics)
    kl = jax.scipy.special.xlogy(model_prob, model_prob) - model_prob * output
    return jnp.sum(kl)

if __name__ == "__main__":
    import jax
    _d = setup_inputs()
    print(jax.jit(kernel)(*tuple(_d.values())))

</pallas_src>

<mosaic_0001>
#map = affine_map<(d0, d1) -> (0)>
module attributes {stable_mosaic.version = 14 : i64} {
  func.func @_sc_gather(%arg0: i32, %arg1: i32, %arg2: memref<256xi32, #tpu.memory_space<hbm>>, %arg3: memref<100000xf32, #tpu.memory_space<hbm>>, %arg4: memref<256xf32, #tpu.memory_space<hbm>>, %arg5: memref<16xi32, #tpu.memory_space<vmem>>, %arg6: memref<16xf32, #tpu.memory_space<vmem>>, %arg7: memref<!tpu.dma_semaphore, #tpu.memory_space<semaphore_mem>>) attributes {dimension_semantics = [#tpu.dimension_semantics<core_parallel>, #tpu.dimension_semantics<subcore_parallel>], iteration_bounds = array<i64: 1, 16>, scalar_prefetch = 0 : i64, scratch_operands = 3 : i64, tpu.core_type = #tpu.core_type<sc_vector_subcore>, window_params = [{transform_indices = #map}, {transform_indices = #map}, {transform_indices = #map}]} {
    %mul3A = arith.constant 16 : i32
    %mul3A_0 = arith.muli %arg1, %mul3A : i32
    "tpu.region"() ({
      %run_scoped3A = tpu.sem_alloc : memref<!tpu.dma_semaphore, #tpu.memory_space<semaphore_mem>>
      %dma_start3A_3 = tpu.memref_slice %arg2[%mul3A_0] : memref<256xi32, #tpu.memory_space<hbm>> -> memref<16xi32, #tpu.memory_space<hbm>>
      %dma_start3A_4 = tpu.memref_slice %arg2[%mul3A_0] : memref<256xi32, #tpu.memory_space<hbm>> -> memref<16xi32, #tpu.memory_space<hbm>>
      tpu.enqueue_dma source(%dma_start3A_4 : memref<16xi32, #tpu.memory_space<hbm>>) target(%arg5 : memref<16xi32, #tpu.memory_space<vmem>>) target_semaphore(%run_scoped3A : memref<!tpu.dma_semaphore, #tpu.memory_space<semaphore_mem>>)
      %dma_wait3A_5 = tpu.memref_slice %arg2[%mul3A_0] : memref<256xi32, #tpu.memory_space<hbm>> -> memref<16xi32, #tpu.memory_space<hbm>>
      %dma_wait3A_6 = tpu.memref_slice %arg2[%mul3A_0] : memref<256xi32, #tpu.memory_space<hbm>> -> memref<16xi32, #tpu.memory_space<hbm>>
      tpu.wait_dma2 semaphore(%run_scoped3A : memref<!tpu.dma_semaphore, #tpu.memory_space<semaphore_mem>>) src(%dma_wait3A_6 : memref<16xi32, #tpu.memory_space<hbm>>) dst(%arg5 : memref<16xi32, #tpu.memory_space<vmem>>)
      tpu.yield
    }) : () -> ()
    %dma_start3A = arith.constant 0 : i32
    %dma_start3A_1 = tpu.memref_slice %arg3[%dma_start3A] : memref<100000xf32, #tpu.memory_space<hbm>> -> memref<100000xf32, #tpu.memory_space<hbm>>
    tpu.enqueue_indirect_dma source(%dma_start3A_1 : memref<100000xf32, #tpu.memory_space<hbm>>) target(%arg6 : memref<16xf32, #tpu.memory_space<vmem>>) offsets(%arg5 : memref<16xi32, #tpu.memory_space<vmem>>) semaphore(%arg7 : memref<!tpu.dma_semaphore, #tpu.memory_space<semaphore_mem>>)
    %dma_wait3A = arith.constant 0 : i32
    %dma_wait3A_2 = tpu.memref_slice %arg3[%dma_wait3A] : memref<100000xf32, #tpu.memory_space<hbm>> -> memref<100000xf32, #tpu.memory_space<hbm>>
    tpu.wait_indirect_dma semaphore(%arg7 : memref<!tpu.dma_semaphore, #tpu.memory_space<semaphore_mem>>) src(%dma_wait3A_2 : memref<100000xf32, #tpu.memory_space<hbm>>) dst(%arg6 : memref<16xf32, #tpu.memory_space<vmem>>)
    "tpu.region"() ({
      %run_scoped3A = tpu.sem_alloc : memref<!tpu.dma_semaphore, #tpu.memory_space<semaphore_mem>>
      %dma_start3A_3 = tpu.memref_slice %arg4[%mul3A_0] : memref<256xf32, #tpu.memory_space<hbm>> -> memref<16xf32, #tpu.memory_space<hbm>>
      %dma_start3A_4 = tpu.memref_slice %arg4[%mul3A_0] : memref<256xf32, #tpu.memory_space<hbm>> -> memref<16xf32, #tpu.memory_space<hbm>>
      tpu.enqueue_dma source(%arg6 : memref<16xf32, #tpu.memory_space<vmem>>) target(%dma_start3A_4 : memref<16xf32, #tpu.memory_space<hbm>>) target_semaphore(%run_scoped3A : memref<!tpu.dma_semaphore, #tpu.memory_space<semaphore_mem>>)
      %dma_wait3A_5 = tpu.memref_slice %arg4[%mul3A_0] : memref<256xf32, #tpu.memory_space<hbm>> -> memref<16xf32, #tpu.memory_space<hbm>>
      %dma_wait3A_6 = tpu.memref_slice %arg4[%mul3A_0] : memref<256xf32, #tpu.memory_space<hbm>> -> memref<16xf32, #tpu.memory_space<hbm>>
      tpu.wait_dma2 semaphore(%run_scoped3A : memref<!tpu.dma_semaphore, #tpu.memory_space<semaphore_mem>>) src(%arg6 : memref<16xf32, #tpu.memory_space<vmem>>) dst(%dma_wait3A_6 : memref<16xf32, #tpu.memory_space<hbm>>)
      tpu.yield
    }) : () -> ()
    return
  }
}

module attributes {stable_mosaic.version = 14 : i64} {
  func.func @_dense_body(%arg0: i32, %arg1: memref<64x4xi32, #tpu.memory_space<vmem>>, %arg2: memref<64x4x8192xf32, #tpu.memory_space<vmem>>, %arg3: memref<1x8192xf32, #tpu.memory_space<vmem>>, %arg4: memref<64x8x1xf32, #tpu.memory_space<vmem>>, %arg5: memref<1x1xf32, #tpu.memory_space<vmem>>) attributes {dimension_semantics = [#tpu.dimension_semantics<arbitrary>], iteration_bounds = array<i64: 13>, scalar_prefetch = 0 : i64, scratch_operands = 0 : i64, tpu.core_type = #tpu.core_type<tc>, window_params = [{pipeline_mode = #tpu.pipeline_mode<synchronous>, transform_indices = @transform_0, window_bounds = array<i64: 64, 4>}, {transform_indices = @transform_1, window_bounds = array<i64: 64, 4, 8192>}, {transform_indices = @transform_2, window_bounds = array<i64: 1, 8192>}, {pipeline_mode = #tpu.pipeline_mode<synchronous>, transform_indices = @transform_3, window_bounds = array<i64: 64, 8, 1>}, {pipeline_mode = #tpu.pipeline_mode<synchronous>, transform_indices = @transform_4, window_bounds = array<i64: 1, 1>}]} {
    %eq3A = arith.constant 0 : i32
    %eq3A_0 = arith.cmpi eq, %arg0, %eq3A : i32
    %convert_element_type3A = arith.extui %eq3A_0 : i1 to i32
    %cond3A = arith.constant 0 : i32
    %cond3A_1 = arith.cmpi ne, %convert_element_type3A, %cond3A : i32
    scf.if %cond3A_1 {
      %broadcast_in_dim3A_80 = arith.constant 0.000000e+00 : f32
      %broadcast_in_dim3A_81 = vector.broadcast %broadcast_in_dim3A_80 : f32 to vector<64x8x1xf32>
      %swap3A_82 = arith.constant 0 : index
      %swap3A_83 = arith.constant 0 : index
      %swap3A_84 = arith.constant 0 : index
      %swap3A_85 = vector.load %arg4[%swap3A_82, %swap3A_83, %swap3A_84] : memref<64x8x1xf32, #tpu.memory_space<vmem>>, vector<64x8x1xf32>
      tpu.vector_store %arg4[%swap3A_82, %swap3A_83, %swap3A_84], %broadcast_in_dim3A_81 {strides = array<i32>} : memref<64x8x1xf32, #tpu.memory_space<vmem>>, vector<64x8x1xf32>,
      %broadcast_in_dim3A_86 = arith.constant 0.000000e+00 : f32
      %broadcast_in_dim3A_87 = vector.broadcast %broadcast_in_dim3A_86 : f32 to vector<1x1xf32>
      %swap3A_88 = arith.constant 0 : index
      %swap3A_89 = arith.constant 0 : index
      %swap3A_90 = vector.load %arg5[%swap3A_88, %swap3A_89] : memref<1x1xf32, #tpu.memory_space<vmem>>, vector<1x1xf32>
      tpu.vector_store %arg5[%swap3A_88, %swap3A_89], %broadcast_in_dim3A_87 {strides = array<i32>} : memref<1x1xf32, #tpu.memory_space<vmem>>, vector<1x1xf32>,
    } else {
    }
    %get3A = arith.constant 0 : index
    %get3A_2 = arith.constant 0 : index
    %get3A_3 = arith.constant 0 : index
    %get3A_4 = vector.load %arg2[%get3A, %get3A_2, %get3A_3] : memref<64x4x8192xf32, #tpu.memory_space<vmem>>, vector<64x4x8192xf32>
    %slice3A = vector.extract_strided_slice %get3A_4 {offsets = [0, 0, 0], sizes = [64, 4, 4096], strides = [1, 1, 1]} : vector<64x4x8192xf32> to vector<64x4x4096xf32>
    %slice3A_5 = vector.extract_strided_slice %get3A_4 {offsets = [0, 0, 4096], sizes = [64, 4, 4096], strides = [1, 1, 1]} : vector<64x4x8192xf32> to vector<64x4x4096xf32>
    %concatenate3A = tpu.concatenate %slice3A, %slice3A_5 in 1 : vector<64x4x4096xf32>, vector<64x4x4096xf32> -> vector<64x8x4096xf32>
    %get3A_6 = arith.constant 0 : index
    %get3A_7 = arith.constant 0 : index
    %get3A_8 = vector.load %arg3[%get3A_6, %get3A_7] : memref<1x8192xf32, #tpu.memory_space<vmem>>, vector<1x8192xf32>
    %slice3A_9 = vector.extract_strided_slice %get3A_8 {offsets = [0, 0], sizes = [1, 4096], strides = [1, 1]} : vector<1x8192xf32> to vector<1x4096xf32>
    %reshape3A = vector.shape_cast %slice3A_9 : vector<1x4096xf32> to vector<1x1x4096xf32>
    %broadcast_in_dim3A = vector.shape_cast %reshape3A : vector<1x1x4096xf32> to vector<1x1x4096xf32>
    %broadcast_in_dim3A_10 = vector.broadcast %broadcast_in_dim3A : vector<1x1x4096xf32> to vector<1x4x4096xf32>
    %slice3A_11 = vector.extract_strided_slice %get3A_8 {offsets = [0, 4096], sizes = [1, 4096], strides = [1, 1]} : vector<1x8192xf32> to vector<1x4096xf32>
    %reshape3A_12 = vector.shape_cast %slice3A_11 : vector<1x4096xf32> to vector<1x1x4096xf32>
    %broadcast_in_dim3A_13 = vector.shape_cast %reshape3A_12 : vector<1x1x4096xf32> to vector<1x1x4096xf32>
    %broadcast_in_dim3A_14 = vector.broadcast %broadcast_in_dim3A_13 : vector<1x1x4096xf32> to vector<1x4x4096xf32>
    %concatenate3A_15 = tpu.concatenate %broadcast_in_dim3A_10, %broadcast_in_dim3A_14 in 1 : vector<1x4x4096xf32>, vector<1x4x4096xf32> -> vector<1x8x4096xf32>
    %iota3A = tpu.iota {dimensions = array<i32: 1>} : vector<1x8x1xi32>
    %ge3A = arith.constant 4 : i32
    %ge3A_16 = vector.broadcast %ge3A : i32 to vector<1x8x1xi32>
    %ge3A_17 = arith.cmpi sge, %iota3A, %ge3A_16 : vector<1x8x1xi32>
    %mul3A = arith.constant 8192 : i32
    %mul3A_18 = arith.muli %arg0, %mul3A : i32
    %iota3A_19 = tpu.iota {dimensions = array<i32: 2>} : vector<1x1x4096xi32>
    %add3A = vector.broadcast %mul3A_18 : i32 to vector<1x1x4096xi32>
    %add3A_20 = arith.addi %add3A, %iota3A_19 : vector<1x1x4096xi32>
    %jit3A = arith.constant 4096 : i32
    %jit3A_21 = arith.constant 0 : i32
    %broadcast_in_dim3A_22 = vector.broadcast %jit3A : i32 to vector<1x8x1xi32>
    %broadcast_in_dim3A_23 = vector.broadcast %jit3A_21 : i32 to vector<1x8x1xi32>
    %select_n3A = arith.select %ge3A_17, %broadcast_in_dim3A_22, %broadcast_in_dim3A_23 : vector<1x8x1xi1>, vector<1x8x1xi32>
    %add3A_24 = vector.broadcast %add3A_20 : vector<1x1x4096xi32> to vector<1x8x4096xi32>
    %add3A_25 = vector.broadcast %select_n3A : vector<1x8x1xi32> to vector<1x8x4096xi32>
    %add3A_26 = arith.addi %add3A_24, %add3A_25 : vector<1x8x4096xi32>
    %lt3A = arith.constant 100000 : i32
    %lt3A_27 = vector.broadcast %lt3A : i32 to vector<1x8x4096xi32>
    %lt3A_28 = arith.cmpi slt, %add3A_26, %lt3A_27 : vector<1x8x4096xi32>
    %jit3A_29 = arith.constant 0.000000e+00 : f32
    %broadcast_in_dim3A_30 = vector.broadcast %jit3A_29 : f32 to vector<1x8x4096xf32>
    %select_n3A_31 = arith.select %lt3A_28, %concatenate3A_15, %broadcast_in_dim3A_30 : vector<1x8x4096xi1>, vector<1x8x4096xf32>
    %get3A_32 = arith.constant 0 : index
    %get3A_33 = arith.constant 0 : index
    %get3A_34 = vector.load %arg1[%get3A_32, %get3A_33] : memref<64x4xi32, #tpu.memory_space<vmem>>, vector<64x4xi32>
    %concatenate3A_35 = tpu.concatenate %get3A_34, %get3A_34 in 1 : vector<64x4xi32>, vector<64x4xi32> -> vector<64x8xi32>
    %broadcast_in_dim3A_36 = vector.shape_cast %concatenate3A_35 : vector<64x8xi32> to vector<64x8x1xi32>
    %eq3A_37 = vector.broadcast %add3A_26 : vector<1x8x4096xi32> to vector<64x8x4096xi32>
    %eq3A_38 = vector.broadcast %broadcast_in_dim3A_36 : vector<64x8x1xi32> to vector<64x8x4096xi32>
    %eq3A_39 = arith.cmpi eq, %eq3A_37, %eq3A_38 : vector<64x8x4096xi32>
    %jit3A_40 = arith.constant 0.899999976 : f32
    %broadcast_in_dim3A_41 = vector.broadcast %jit3A_40 : f32 to vector<64x8x4096xf32>
    %broadcast_in_dim3A_42 = vector.shape_cast %select_n3A_31 : vector<1x8x4096xf32> to vector<1x8x4096xf32>
    %broadcast_in_dim3A_43 = vector.broadcast %broadcast_in_dim3A_42 : vector<1x8x4096xf32> to vector<64x8x4096xf32>
    %select_n3A_44 = arith.select %eq3A_39, %broadcast_in_dim3A_41, %broadcast_in_dim3A_43 : vector<64x8x4096xi1>, vector<64x8x4096xf32>
    %get3A_45 = arith.constant 0 : index
    %get3A_46 = arith.constant 0 : index
    %get3A_47 = arith.constant 0 : index
    %get3A_48 = vector.load %arg4[%get3A_45, %get3A_46, %get3A_47] : memref<64x8x1xf32, #tpu.memory_space<vmem>>, vector<64x8x1xf32>
    %mul3A_49 = arith.mulf %concatenate3A, %select_n3A_44 : vector<64x8x4096xf32>
    %reduce_sum3A = arith.constant dense<0.000000e+00> : vector<64x8xf32>
    %reduce_sum3A_50 = vector.multi_reduction <add>, %mul3A_49, %reduce_sum3A [2] : vector<64x8x4096xf32> to vector<64x8xf32>
    %broadcast_in_dim3A_51 = vector.shape_cast %reduce_sum3A_50 : vector<64x8xf32> to vector<64x8x1xf32>
    %add3A_52 = arith.addf %get3A_48, %broadcast_in_dim3A_51 : vector<64x8x1xf32>
    %swap3A = arith.constant 0 : index
    %swap3A_53 = arith.constant 0 : index
    %swap3A_54 = arith.constant 0 : index
    %swap3A_55 = vector.load %arg4[%swap3A, %swap3A_53, %swap3A_54] : memref<64x8x1xf32, #tpu.memory_space<vmem>>, vector<64x8x1xf32>
    tpu.vector_store %arg4[%swap3A, %swap3A_53, %swap3A_54], %add3A_52 {strides = array<i32>} : memref<64x8x1xf32, #tpu.memory_space<vmem>>, vector<64x8x1xf32>,
    %gt3A = arith.constant 0.000000e+00 : f32
    %gt3A_56 = vector.broadcast %gt3A : f32 to vector<1x8x4096xf32>
    %gt3A_57 = arith.cmpf ogt, %select_n3A_31, %gt3A_56 : vector<1x8x4096xf32>
    %jit3A_58 = arith.constant 1.000000e+00 : f32
    %broadcast_in_dim3A_59 = vector.broadcast %jit3A_58 : f32 to vector<1x8x4096xf32>
    %select_n3A_60 = arith.select %gt3A_57, %select_n3A_31, %broadcast_in_dim3A_59 : vector<1x8x4096xi1>, vector<1x8x4096xf32>
    %log3A = math.log %select_n3A_60 : vector<1x8x4096xf32>
    %mul3A_61 = arith.mulf %select_n3A_31, %log3A : vector<1x8x4096xf32>
    %jit3A_62 = arith.constant 0.000000e+00 : f32
    %broadcast_in_dim3A_63 = vector.broadcast %jit3A_62 : f32 to vector<1x8x4096xf32>
    %select_n3A_64 = arith.select %gt3A_57, %mul3A_61, %broadcast_in_dim3A_63 : vector<1x8x4096xi1>, vector<1x8x4096xf32>
    %get3A_65 = arith.constant 0 : index
    %get3A_66 = arith.constant 0 : index
    %get3A_67 = vector.load %arg5[%get3A_65, %get3A_66] : memref<1x1xf32, #tpu.memory_space<vmem>>, vector<1x1xf32>
    %reduce_sum3A_68 = vector.shape_cast %select_n3A_64 : vector<1x8x4096xf32> to vector<1x1x8x4096xf32>
    %reduce_sum3A_69 = arith.constant dense<0.000000e+00> : vector<1xf32>
    %reduce_sum3A_70 = vector.multi_reduction <add>, %reduce_sum3A_68, %reduce_sum3A_69 [1, 2, 3] : vector<1x1x8x4096xf32> to vector<1xf32>
    %reduce_sum3A_71 = vector.shape_cast %reduce_sum3A_70 : vector<1xf32> to vector<1x1x1x1xf32>
    %reduce_sum3A_72 = vector.extract %reduce_sum3A_71[0, 0, 0, 0] : f32 from vector<1x1x1x1xf32>
    %mul3A_73 = arith.constant 2.500000e-01 : f32
    %mul3A_74 = arith.mulf %reduce_sum3A_72, %mul3A_73 : f32
    %add3A_75 = vector.broadcast %mul3A_74 : f32 to vector<1x1xf32>
    %add3A_76 = arith.addf %get3A_67, %add3A_75 : vector<1x1xf32>
    %swap3A_77 = arith.constant 0 : index
    %swap3A_78 = arith.constant 0 : index
    %swap3A_79 = vector.load %arg5[%swap3A_77, %swap3A_78] : memref<1x1xf32, #tpu.memory_space<vmem>>, vector<1x1xf32>
    tpu.vector_store %arg5[%swap3A_77, %swap3A_78], %add3A_76 {strides = array<i32>} : memref<1x1xf32, #tpu.memory_space<vmem>>, vector<1x1xf32>,
    return
  }
  func.func @transform_0(%arg0: i32) -> (i32, i32) {
    %c0_i32 = arith.constant 0 : i32
    %c0_i32_0 = arith.constant 0 : i32
    %c0_i32_1 = arith.constant 0 : i32
    return %c0_i32, %c0_i32_0 : i32, i32
  }
  func.func @transform_1(%arg0: i32) -> (i32, i32, i32) {
    %c0_i32 = arith.constant 0 : i32
    %c0_i32_0 = arith.constant 0 : i32
    %c0_i32_1 = arith.constant 0 : i32
    return %c0_i32, %c0_i32_0, %arg0 : i32, i32, i32
  }
  func.func @transform_2(%arg0: i32) -> (i32, i32) {
    %c0_i32 = arith.constant 0 : i32
    %c0_i32_0 = arith.constant 0 : i32
    return %c0_i32, %arg0 : i32, i32
  }
  func.func @transform_3(%arg0: i32) -> (i32, i32, i32) {
    %c0_i32 = arith.constant 0 : i32
    %c0_i32_0 = arith.constant 0 : i32
    %c0_i32_1 = arith.constant 0 : i32
    %c0_i32_2 = arith.constant 0 : i32
    return %c0_i32, %c0_i32_0, %c0_i32_1 : i32, i32, i32
  }
  func.func @transform_4(%arg0: i32) -> (i32, i32) {
    %c0_i32 = arith.constant 0 : i32
    %c0_i32_0 = arith.constant 0 : i32
    %c0_i32_1 = arith.constant 0 : i32
    return %c0_i32, %c0_i32_0 : i32, i32
  }
}

</mosaic_0001>

<sc_bundles>
// kernel: kernel.4.cloned.1.call-start
scs
__scs_entry_jumppad:
0x0: {  	(pc) =	sbr.rel $0x88, $3  }
0x1: {  	(tag) =	ssettag $0x0;
	lr =	simm.s32 $0x1  }
0x2: {  	[smem:$0x3F9E] =	sst lr;
	_ =	strace $0xD0000000  }
0x3: {  	_ = 	snop  }
0x4: {  	_ = 	snop  }
0x5: {  	_ = 	snop  }
0x6: {  	_ = 	snop  }
0x7: {  	_ = 	snop  }
__scs_overlays_trampoline_lowered:
0x8: {  	[smem:$0x3FAD] =	sst s0  }
0x9: {  	[smem:$0x3FAE] =	sst s1  }
0xa: {  	[smem:$0x3FAF] =	sst s2  }
0xb: {  	[smem:$0x3FB0] =	sst s3  }
0xc: {  	[smem:$0x3FB1] =	sst s4  }
0xd: {  	[smem:$0x3FB2] =	sst s5  }
0xe: {  	[smem:$0x3FB3] =	sst s6  }
0xf: {  	[smem:$0x3FB4] =	sst s7  }
0x10: {  	[smem:$0x3FB5] =	sst s8  }
0x11: {  	[smem:$0x3FB6] =	sst s9;
	s0 =	simm.s32 @!p0 $0x0  }
0x12: {  	s1 =	sld [smem:$0x3F9C];
	s0 =	simm.s32 @p0 $0x1  }
0x13: {  	[smem:$0x3FB7] =	sst s0;
	s0 =	simm.s32 @!p1 $0x0  }
0x14: {  	s2 =	sld [smem:$0x3F9B];
	s0 =	simm.s32 @p1 $0x1  }
0x15: {  	[smem:$0x3FB8] =	sst s0;
	s0 =	simm.s32 @!p2 $0x0  }
0x16: {  	s3 =	sld [smem:$0x3FDB];
	s0 =	simm.s32 @p2 $0x1  }
0x17: {  	s4 =	simm.s32 $0x1BF5;
	[smem:$0x3FBA] =	sst s0  }
0x18: {  	s0 =	sld [smem:$0x3F9D];
	_ =	swait.ge [sflag:s4], $0x0  }
0x19: {  	s7 =	sld [smem:$0x3F9E]  }
0x1a: {  	s8 =	sadd.s32 $0xFFFFE003, lr  }
0x1b: {  	s9 =	sadd.s32 $0xFFFFFEF7, lr;
	s5 =	simm.s32 $0xFFFFFFFF;
	p2 =	slt.u32 s8, $0xFFFFF086  }
0x1c: {  	p1 =	slt.u32 s9, $0xF7A;
	s5 =	simm.s32 @!p2 $0x0  }
0x1d: {  	s5 =	simm.s32 @p1 $0x1;
	p0 =	seq.s32 s7, s2  }
0x1e: {  	s7 =	smul.u32 @!p0 $0xF7A, s2;
	p2 =	seq.s32 @!p0 s5, $0x0  }
0x1f: {  	s9 =	smul.u32 $0xF7A, s1;
	s8 =	simm.s32 @!p0 $0x1BF5;
	p2 =	por !p2, p0  }
0x20: {  	[sflag:s8] =	ssyncset.s32 @!p0 $0xFFFFF086;
	s6 =	sadd.s32 @!p0 s3, s7;
	s7 =	simm.s32 @!p0 $0x108  }
0x21: {  	s3 =	sadd.s32 s3, s9;
	s6 =	sadd.s32 @!p0 $0x88, s6;
	s7 =	simm.s32 @p2 $0x1082  }
0x22: {  	[simem:s7], [sflag:s8] =	dma.local @!p0 [hbm:s6], $0xF7A  }
0x23: {  	s9 =	sor.u32 $0xD0000000, s2;
	s6 =	simm.s32 $0x108;
	_ =	swait.ge @!p0 [sflag:s8], $0x0  }
0x24: {  	s3 =	sadd.s32 $0x88, s3;
	s6 =	simm.s32 @!p1 $0x1082;
	[sflag:s4] =	ssyncset.s32 $0xFFFFF086  }
0x25: {  	[simem:s6], [sflag:s4] =	dma.local [hbm:s3], $0xF7A  }
0x26: {  	[smem:$0x3F9E] =	sst s1;
	(tag) =	ssettag s2;
	_ =	strace s9  }
0x27: {  	s1 =	sld [smem:$0x3FAE]  }
0x28: {  	s2 =	sld [smem:$0x3FAF]  }
0x29: {  	s4 =	sld [smem:$0x3FB1]  }
0x2a: {  	p0 =	seq.s32 s5, $0x0;
	s5 =	sld [smem:$0x3FB2]  }
0x2b: {  	s6 =	sld [smem:$0x3FB3]  }
0x2c: {  	s7 =	sld [smem:$0x3FB4]  }
0x2d: {  	s3 =	simm.s32 $0x108;
	s8 =	sld [smem:$0x3FB5]  }
0x2e: {  	s3 =	simm.s32 @!p0 $0x1082;
	s9 =	sld [smem:$0x3FB6]  }
0x2f: {  	lr =	sadd.s32 s0, s3;
	s0 =	sld [smem:$0x3FAD]  }
0x30: {  	s3 =	sld [smem:$0x3FB0]  }
0x31: {  	[smem:$0x3FB9] =	sst s10  }
0x32: {  	s10 =	sld [smem:$0x3FB7];
	_ =	sdelay $0x3  }
0x33: {  	p0 =	seq.s32 s10, $0x1;
	s10 =	sld [smem:$0x3FB9];
	_ =	sdelay $0x3  }
0x34: {  	[smem:$0x3FB9] =	sst s10  }
0x35: {  	s10 =	sld [smem:$0x3FB8];
	_ =	sdelay $0x3  }
0x36: {  	p1 =	seq.s32 s10, $0x1;
	s10 =	sld [smem:$0x3FB9];
	_ =	sdelay $0x3  }
0x37: {  	[smem:$0x3FB9] =	sst s10  }
0x38: {  	s10 =	sld [smem:$0x3FBA]  }
0x39: {  	_ = 	snop;
	(pc) =	sbr.ind lr, $3  }
0x3a: {  	_ = 	snop  }
0x3b: {  	_ = 	snop  }
0x3c: {  	p2 =	seq.s32 s10, $0x1;
	s10 =	sld [smem:$0x3FB9]  }
0x3d: {  	_ =	shalt  }
0x3e: {  	_ =	shalt  }
0x3f: {  	_ =	shalt  }
0x40: {  	_ =	shalt  }
0x41: {  	_ =	shalt  }
0x42: {  	_ =	shalt  }
0x43: {  	_ =	shalt  }
0x44: {  	_ =	shalt  }
0x45: {  	_ =	shalt  }
0x46: {  	_ =	shalt  }
0x47: {  	_ =	shalt  }
0x48: {  	_ =	shalt  }
0x49: {  	_ =	shalt  }
0x4a: {  	_ =	shalt  }
0x4b: {  	_ =	shalt  }
0x4c: {  	_ =	shalt  }
0x4d: {  	_ =	shalt  }
0x4e: {  	_ =	shalt  }
0x4f: {  	_ =	shalt  }
0x50: {  	_ =	shalt  }
0x51: {  	_ =	shalt  }
0x52: {  	_ =	shalt  }
0x53: {  	_ =	shalt  }
0x54: {  	_ =	shalt  }
0x55: {  	_ =	shalt  }
0x56: {  	_ =	shalt  }
0x57: {  	_ =	shalt  }
0x58: {  	_ =	shalt  }
0x59: {  	_ =	shalt  }
0x5a: {  	_ =	shalt  }
0x5b: {  	_ =	shalt  }
0x5c: {  	_ =	shalt  }
0x5d: {  	_ =	shalt  }
0x5e: {  	_ =	shalt  }
0x5f: {  	_ =	shalt  }
0x60: {  	_ =	shalt  }
0x61: {  	_ =	shalt  }
0x62: {  	_ =	shalt  }
0x63: {  	_ =	shalt  }
0x64: {  	_ =	shalt  }
0x65: {  	_ =	shalt  }
0x66: {  	_ =	shalt  }
0x67: {  	_ =	shalt  }
0x68: {  	_ =	shalt  }
0x69: {  	_ =	shalt  }
0x6a: {  	_ =	shalt  }
0x6b: {  	_ =	shalt  }
0x6c: {  	_ =	shalt  }
0x6d: {  	_ =	shalt  }
0x6e: {  	_ =	shalt  }
0x6f: {  	_ =	shalt  }
0x70: {  	_ =	shalt  }
0x71: {  	_ =	shalt  }
0x72: {  	_ =	shalt  }
0x73: {  	_ =	shalt  }
0x74: {  	_ =	shalt  }
0x75: {  	_ =	shalt  }
0x76: {  	_ =	shalt  }
0x77: {  	_ =	shalt  }
0x78: {  	_ =	shalt  }
0x79: {  	_ =	shalt  }
0x7a: {  	_ =	shalt  }
0x7b: {  	_ =	shalt  }
0x7c: {  	_ =	shalt  }
0x7d: {  	_ =	shalt  }
0x7e: {  	_ =	shalt  }
0x7f: {  	_ =	shalt  }
0x80: {  	_ =	shalt  }
0x81: {  	_ =	shalt  }
0x82: {  	_ =	shalt  }
0x83: {  	_ =	shalt  }
0x84: {  	_ =	shalt  }
0x85: {  	_ =	shalt  }
0x86: {  	_ =	shalt  }
0x87: {  	_ =	shalt  }
.Lfunc_end0:
.L_simem_size_0:
called_computation_lowered:
.L_overlay_start_0:
0x88: {  	s0 =	sld [smem:$0x3FD9]  }
0x89: {  	s1 =	sld [smem:$0x3FFE];
	_ =	sdelay $0x3  }
0x8a: {  	s0 =	sadd.s32 s1, s0  }
0x8b: {  	[smem:$0x3FC5] =	sst s0  }
0x8c: {  	_ = 	snop  }
0x8d: {  	(tm) =	ssettm $0x1  }
0x8e: {  	s15 =	sld [smem:$0x3FFB];
	_ =	sdelay $0x3  }
0x8f: {  	_ =	strace s15  }
0x90: {  	s0 =	sld [smem:$0x3FFC];
	_ =	sdelay $0x3  }
0x91: {  	_ =	strace s0  }
0x92: {  	s0 =	sld [smem:$0x3FFD];
	_ =	sdelay $0x3  }
0x93: {  	_ =	strace s0  }
0x94: {  	_ =	strace $0x8FFFFFFF  }
0x95: {  	s16 =	sld [smem:$0x3FDB];
	_ =	sdelay $0x1  }
0x96: {  	s17 =	simm.s32 $_scs_section_size  }
0x97: {  	s2 =	simm.s32 $_size__tile_overlayer_lowered;
	s3 =	simm.s32 $_tile_overlayer_lowered  }
0x98: {  	s20 =	simm.s32 $0x1BFF;
	s19 =	sshll.u32 s3, $0x1;
	s0 =	sadd.s32 s17, s16  }
0x99: {  	s4 =	simm.s32 $0x0;
	s18 =	sshll.u32 s2, $0x1;
	s2 =	sadd.s32 s19, s0  }
0x9a: {  	[timem:s4], [sflag:s20] =	dma.local [hbm:s2], s18  }
0x9b: {  	_ =	swait.ge [sflag:s20], s18  }
0x9c: {  	s1 =	ssub.s32 $0x0, s18;
	[sflag:s20] =	ssyncset.done $0x0  }
0x9d: {  	[sflag:s20] =	ssyncadd.s32 s1;
	_ =	sdelay $0x1  }
0x9e: {  	s21 =	simm.s32 $0x1B8B  }
0x9f: {  	_ =	swait.ge [sflag:s21], $0x1  }
0xa0: {  	[sflag:s21] =	ssyncset.done $0x0  }
0xa1: {  	s23 =	simm.s32 $0x1B8E;
	s22 =	sld [smem:$0x3FFE];
	[sflag:s21] =	ssyncadd.s32 $0xFFFFFFFF  }
0xa2: {  	s24 =	simm.s32 $execute0_lowered;
	[smem:$0x3FD2] =	sst s23  }
0xa3: {  	s2 =	sshll.u32 s24, $0x1;
	_ =	strace $0x80000046;
	[dreg:$0x1] =	wrdreg $0xFFFFFFFF  }
0xa4: {  	s25 =	simm.s32 $_size_execute0_lowered;
	s0 =	sadd.s32 s0, s2;
	[dreg:$0x0] =	wrdreg $0x0  }
0xa5: {  	s2 =	sshll.u32 s25, $0x1;
	[dreg:$0x2] =	wrdreg s0  }
0xa6: {  	[dreg:$0x3] =	wrdreg s2  }
0xa7: {  	[dreg:$0x4] =	wrdreg $0xC0  }
0xa8: {  	_ =	task [dreg:s4], $0x5FFFF  }
0xa9: {  	[dreg:$0x1] =	wrdreg $0xFFFFFFFF  }
0xaa: {  	[dreg:$0x0] =	wrdreg $0x60  }
0xab: {  	[dreg:$0x2] =	wrdreg s22  }
0xac: {  	[dreg:$0x3] =	wrdreg $0x9  }
0xad: {  	_ =	task.clear_ibuf [dreg:s4], $0x4FFFF;
	_ =	strace $0x90000046  }
0xae: {  	s26 =	simm.s32 $0x9;
	_ =	strace $0x80000048  }
0xaf: {  	_ =	swait.ge [sflag:s26], $0x1  }
0xb0: {  	[sflag:s26] =	ssyncadd.s32 $0xFFFFFFFF  }
0xb1: {  	_ =	strace $0x90000048  }
0xb2: {  	_ =	sfence  }
0xb3: {  	s28 =	sld [smem:$0x0];
	_ =	sdelay $0x1  }
0xb4: {  	s29 =	srdreg.scid  }
0xb5: {  	s30 =	sshll.u32 s29, $0xD;
	s31 =	sshrl.u32 s29, $0x2  }
0xb6: {  	s1 =	sand.u32 $0x1, s29;
	s2 =	sand.u32 $0x4000, s30;
	s0 =	sadd.s32 s31, s28  }
0xb7: {  	s1 =	sor.u32 s2, s1;
	s0 =	sshll.u32 s0, $0x11  }
0xb8: {  	s0 =	sor.u32 s0, s1  }
0xb9: {  	s0 =	sadd.s32 $0x8F2B, s0  }
0xba: {  	[sflag:s0] =	ssyncadd.remote.s32 $0x1  }
0xbb: {  	_ =	sfence.sel $0xFFFF  }
0xbc: {  	[dreg:$0x0] =	wrdreg $0xFFFFFFFF;
	(pc) =	sbr.abs _section_cstart, $3  }
0xbd: {  	[dreg:$0x1] =	wrdreg $0xFFFFFFFF  }
0xbe: {  	_ =	task.clear_ibuf [dreg:s4], $0x2FFFF;
	_ =	strace $0x9FFFFFFF  }
0xbf: {  	(tm) =	ssettm $0x7FFFFFFF  }
tec
execute0_lowered:
.L_overlay_start_1:
0x0: {  	(tag) =	ssettag $0x1  }
0x1: {  	s0 =	rddreg [dreg:$0x0]  }
0x2: {  	s1 =	rddreg [dreg:$0x1];
	s2 =	simm.s32 $0x0;
	s3 =	stileid.u32  }
0x3: {  	[smem:$0x7FF] =	sst s2;
	s4 =	sshll.u32 s3, $0x1  }
0x4: {  	s5 =	simm.s32 $0x2;
	_ =	strace $0x80000047;
	s4 =	sadd.s32 s0, s4  }
0x5: {  	[tilespmem:s2], [sflag:$0x2] =	stream.linear.gather [hbm4b:s4+s2], $0x10, $0x38;
	[tilespmem:$0x100] =	vst v63  }
0x6: {  	_ =	swait.ge [sflag:s5], $0x10  }
0x7: {  	s6 =	simm.s32 $0x10;
	s7 =	simm.s32 $0x80;
	[sflag:s5] =	ssyncset.done $0x0  }
0x8: {  	s31 =	simm.s32 $0x1;
	s0 =	sadd.s32 $0x200, s0;
	[sflag:s5] =	ssyncadd.s32 $0xFFFFFFF0  }
0x9: {  	[tilespmem:s7], [sflag:$0x1] =	stream.indirect.gather [hbm4b:s0+s6], $0x1, s2, s6, $0xb8;
	[tilespmem:$0x100] =	vst v63  }
0xa: {  	_ =	swait.ge [sflag:s31], $0x10  }
0xb: {  	[sflag:s31] =	ssyncset.done $0x0  }
0xc: {  	s4 =	sadd.s32 $0x3400, s4;
	[sflag:s31] =	ssyncadd.s32 $0xFFFFFFF0  }
0xd: {  	[hbm4b:s4+s2] =	stream.linear.scatter [tilespmem:s7], [sflag:$0x2], $0x10, $0x38;
	[tilespmem:$0x100] =	vst v63  }
0xe: {  	_ =	swait.ge [sflag:s5], $0x10  }
0xf: {  	[sflag:s5] =	ssyncset.done $0x0  }
0x10: {  	[sflag:s5] =	ssyncadd.s32 $0xFFFFFFF0  }
0x11: {  	_ =	sfence.sel $0x180000  }
0x12: {  	[bflag:$0x0] =	sbarrier.arrive $0xFFFF  }
0x13: {  	p0 =	sne.s32 s3, $0x0;
	_ =	strace $0x90000047  }
0x14: {  	s0 =	sadd.s32 @!p0 $0x100000, s1;
	[bflag:$0x2] =	sbarrier.arrive $0xFFFF  }
0x15: {  	[sflag:s0] =	ssyncadd.tile.s32 @!p0 $0x1;
	_ =	shalt  }
.Lfunc_end2:
_tile_overlayer_lowered:
.L_overlay_start_2:
0x16: {  	(tag) =	ssettag $0x2  }
0x17: {  	s0 =	rddreg [dreg:$0x0];
	s2 =	stileid.u32  }
0x18: {  	s1 =	rddreg [dreg:$0x1];
	p0 =	sne.s32 s2, $0x0  }
0x19: {  	s3 =	rddreg [dreg:$0x2];
	[bflag:$0x3] =	sbarrier.arrive $0xFFFF;
	s2 =	simm.s32 @!p0 $0x1C02  }
0x1a: {  	[timem:s3], [sflag:s2] =	dma.local @!p0 [hbm:s0], s1  }
0x1b: {  	s0 =	simm.s32 @!p0 $0x2  }
0x1c: {  	_ =	swait.ge @!p0 [sflag:s0], s1  }
0x1d: {  	s1 =	ssub.s32 @!p0 $0x0, s1;
	[sflag:s0] =	ssyncset.done @!p0 $0x0  }
0x1e: {  	[sflag:s0] =	ssyncadd.s32 @!p0 s1  }
0x1f: {  	[bflag:$0x3] =	sbarrier.arrive $0xFFFF  }
0x20: {  	_ =	shalt  }

</sc_bundles>
